<compile_context>
chip_gen: v7x
topology: tpu7x:2x2x1
jax: 0.10.2.dev20260603
libtpu: 0.0.44.dev20260713+nightly
codegen_flags: <defaults>
</compile_context>

<pallas_src>
import functools

import jax
import jax.numpy as jnp
from jax import lax
from jax.experimental import pallas as pl
from jax.experimental.pallas import tpu as pltpu
from jax.experimental.pallas import tpu_sc as plsc

D = 64
WINDOW = 8
LANES = 16
CHUNK = 512
NBUF = 2


def kernel(input, table, b_embed):
    B, N = input.shape
    BN = B * N
    idx_flat = input.reshape(BN).astype(jnp.int32)

    info = plsc.get_sparse_core_info()
    num_workers = info.num_cores * info.num_subcores
    per_w = BN // num_workers
    assert per_w * num_workers == BN and per_w % (CHUNK * NBUF) == 0
    n_chunks = per_w // CHUNK
    n_outer = n_chunks // NBUF

    @functools.partial(
        pl.kernel,
        out_type=jax.ShapeDtypeStruct((BN, D), jnp.float32),
        mesh=plsc.VectorSubcoreMesh(core_axis_name="c", subcore_axis_name="s"),
        compiler_params=pltpu.CompilerParams(use_tc_tiling_on_sc=False),
        scratch_types=[
            pltpu.VMEM((per_w,), jnp.int32),
            pltpu.VMEM((NBUF, CHUNK, D), jnp.float32),
            pltpu.VMEM((D,), jnp.float32),
        ]
        + [pltpu.SemaphoreType.DMA] * (2 * NBUF),
    )
    def body(idx_hbm, table_hbm, bias_hbm, out_hbm, idx_all, rows, b_v, *sems):
        gsem = sems[:NBUF]
        ssem = sems[NBUF:]
        wid = lax.axis_index("s") * info.num_cores + lax.axis_index("c")
        base = wid * per_w
        pltpu.sync_copy(bias_hbm, b_v)
        pltpu.sync_copy(idx_hbm.at[pl.ds(base, per_w)], idx_all)

        def gather_start(c, p):
            src = table_hbm.at[idx_all.at[pl.ds(c * CHUNK, CHUNK)]]
            pltpu.async_copy(src, rows.at[p], gsem[p])

        def gather_wait(p):
            src = table_hbm.at[idx_all.at[pl.ds(0, CHUNK)]]
            pltpu.make_async_copy(src, rows.at[p], gsem[p]).wait()

        def store_start(c, p):
            dst = out_hbm.at[pl.ds(base + c * CHUNK, CHUNK)]
            pltpu.async_copy(rows.at[p], dst, ssem[p])

        def store_wait(p):
            dst = out_hbm.at[pl.ds(base, CHUNK)]
            pltpu.make_async_copy(rows.at[p], dst, ssem[p]).wait()

        def add_bias(p):
            def beacon_row(r, _):
                row = r * WINDOW
                for j in range(D // LANES):
                    sl = pl.ds(j * LANES, LANES)
                    rows[p, row, sl] = rows[p, row, sl] + b_v[sl]
                return 0

            lax.fori_loop(0, CHUNK // WINDOW, beacon_row, 0)

        for p in range(NBUF):
            gather_start(p, p)

        def outer(t, _):
            for p in range(NBUF):
                gather_wait(p)
                add_bias(p)
                store_start(t * NBUF + p, p)

            @pl.when(t != n_outer - 1)
            def _prefetch():
                for p in range(NBUF):
                    store_wait(p)
                    gather_start((t + 1) * NBUF + p, p)

            return 0

        lax.fori_loop(0, n_outer, outer, 0)
        for p in range(NBUF):
            store_wait(p)

    out = body(idx_flat, table, b_embed)
    return out.reshape(B, N, D)

# --- scband reference (transcript-rebuilt; emitter-appended) ---
"""Pipeline reference for scband-beacon-embedding-26577257628231 (READ-ONLY COPY).

The authoritative reference and input builder live on the scoring server;
editing this copy changes nothing except your own understanding.
"""

import jax, jax.numpy as jnp
import numpy as np

VOCAB = 1000000
D = 64
B = 4096
N = 200
WINDOW = 8


def setup_inputs(seed: int = 0) -> dict:
    key = jax.random.key(seed)
    k1, k2, k3 = jax.random.split(key, 3)
    inp = jax.random.randint(k1, (B, N), 0, VOCAB)
    table = jax.random.normal(k2, (VOCAB, D), dtype=jnp.float32)
    b_embed = jax.random.normal(k3, (D,), dtype=jnp.float32)
    return {"input": inp, "table": table, "b_embed": b_embed}


def reference(input, table, b_embed):
    Bb, Nn = input.shape
    # regular embedding lookup (gather)
    regular_embedding = jnp.take(table, input, axis=0)
    # beacon tensor: zeros with b_embed broadcast at every `WINDOW`-th position
    beacon_tensor = jnp.zeros((Bb, Nn, b_embed.shape[0]), dtype=table.dtype)
    beacon_tensor = beacon_tensor.at[:, ::WINDOW, :].set(b_embed)
    return regular_embedding + beacon_tensor

if __name__ == "__main__":
    import jax
    _d = setup_inputs()
    print(jax.jit(kernel)(*tuple(_d.values())))

</pallas_src>

<mosaic_0001>
#map = affine_map<(d0, d1) -> (0)>
#map1 = affine_map<(d0, d1) -> (0, 0)>
module attributes {stable_mosaic.version = 14 : i64} {
  func.func @body(%arg0: i32, %arg1: i32, %arg2: memref<819200xi32, #tpu.memory_space<hbm>>, %arg3: memref<1000000x64xf32, #tpu.memory_space<hbm>>, %arg4: memref<64xf32, #tpu.memory_space<hbm>>, %arg5: memref<819200x64xf32, #tpu.memory_space<hbm>>, %arg6: memref<25600xi32, #tpu.memory_space<vmem>>, %arg7: memref<2x512x64xf32, #tpu.memory_space<vmem>>, %arg8: memref<64xf32, #tpu.memory_space<vmem>>, %arg9: memref<!tpu.dma_semaphore, #tpu.memory_space<semaphore_mem>>, %arg10: memref<!tpu.dma_semaphore, #tpu.memory_space<semaphore_mem>>, %arg11: memref<!tpu.dma_semaphore, #tpu.memory_space<semaphore_mem>>, %arg12: memref<!tpu.dma_semaphore, #tpu.memory_space<semaphore_mem>>) attributes {dimension_semantics = [#tpu.dimension_semantics<core_parallel>, #tpu.dimension_semantics<subcore_parallel>], iteration_bounds = array<i64: 2, 16>, scalar_prefetch = 0 : i64, scratch_operands = 7 : i64, tpu.core_type = #tpu.core_type<sc_vector_subcore>, window_params = [{transform_indices = #map}, {transform_indices = #map1}, {transform_indices = #map}, {transform_indices = #map1}]} {
    %mul3A = arith.constant 2 : i32
    %mul3A_0 = arith.muli %arg1, %mul3A : i32
    %add3A = arith.addi %mul3A_0, %arg0 : i32
    %mul3A_1 = arith.constant 25600 : i32
    %mul3A_2 = arith.muli %add3A, %mul3A_1 : i32
    "tpu.region"() ({
      %run_scoped3A = tpu.sem_alloc : memref<!tpu.dma_semaphore, #tpu.memory_space<semaphore_mem>>
      tpu.enqueue_dma source(%arg4 : memref<64xf32, #tpu.memory_space<hbm>>) target(%arg8 : memref<64xf32, #tpu.memory_space<vmem>>) target_semaphore(%run_scoped3A : memref<!tpu.dma_semaphore, #tpu.memory_space<semaphore_mem>>)
      tpu.wait_dma2 semaphore(%run_scoped3A : memref<!tpu.dma_semaphore, #tpu.memory_space<semaphore_mem>>) src(%arg4 : memref<64xf32, #tpu.memory_space<hbm>>) dst(%arg8 : memref<64xf32, #tpu.memory_space<vmem>>)
      tpu.yield
    }) : () -> ()
    "tpu.region"() ({
      %run_scoped3A = tpu.sem_alloc : memref<!tpu.dma_semaphore, #tpu.memory_space<semaphore_mem>>
      %dma_start3A_53 = tpu.memref_slice %arg2[%mul3A_2] : memref<819200xi32, #tpu.memory_space<hbm>> -> memref<25600xi32, #tpu.memory_space<hbm>>
      %dma_start3A_54 = tpu.memref_slice %arg2[%mul3A_2] : memref<819200xi32, #tpu.memory_space<hbm>> -> memref<25600xi32, #tpu.memory_space<hbm>>
      tpu.enqueue_dma source(%dma_start3A_54 : memref<25600xi32, #tpu.memory_space<hbm>>) target(%arg6 : memref<25600xi32, #tpu.memory_space<vmem>>) target_semaphore(%run_scoped3A : memref<!tpu.dma_semaphore, #tpu.memory_space<semaphore_mem>>)
      %dma_wait3A_55 = tpu.memref_slice %arg2[%mul3A_2] : memref<819200xi32, #tpu.memory_space<hbm>> -> memref<25600xi32, #tpu.memory_space<hbm>>
      %dma_wait3A_56 = tpu.memref_slice %arg2[%mul3A_2] : memref<819200xi32, #tpu.memory_space<hbm>> -> memref<25600xi32, #tpu.memory_space<hbm>>
      tpu.wait_dma2 semaphore(%run_scoped3A : memref<!tpu.dma_semaphore, #tpu.memory_space<semaphore_mem>>) src(%dma_wait3A_56 : memref<25600xi32, #tpu.memory_space<hbm>>) dst(%arg6 : memref<25600xi32, #tpu.memory_space<vmem>>)
      tpu.yield
    }) : () -> ()
    %dma_start3A = arith.constant 0 : i32
    %dma_start3A_3 = arith.constant 0 : i32
    %dma_start3A_4 = arith.constant 0 : i32
    %dma_start3A_5 = tpu.memref_slice %arg7[%dma_start3A, %dma_start3A_3, %dma_start3A_4] : memref<2x512x64xf32, #tpu.memory_space<vmem>> -> memref<1x512x64xf32, #tpu.memory_space<vmem>>
    %dma_start3A_6 = tpu.memref_squeeze %dma_start3A_5 : memref<1x512x64xf32, #tpu.memory_space<vmem>> -> memref<512x64xf32, #tpu.memory_space<vmem>>
    %dma_start3A_7 = arith.constant 0 : i32
    %dma_start3A_8 = tpu.memref_slice %arg6[%dma_start3A_7] : memref<25600xi32, #tpu.memory_space<vmem>> -> memref<512xi32, #tpu.memory_space<vmem>>
    %dma_start3A_9 = arith.constant 0 : i32
    %dma_start3A_10 = arith.constant 0 : i32
    %dma_start3A_11 = tpu.memref_slice %arg3[%dma_start3A_9, %dma_start3A_10] : memref<1000000x64xf32, #tpu.memory_space<hbm>> -> memref<1000000x64xf32, #tpu.memory_space<hbm>>
    tpu.enqueue_indirect_dma source(%dma_start3A_11 : memref<1000000x64xf32, #tpu.memory_space<hbm>>) target(%dma_start3A_6 : memref<512x64xf32, #tpu.memory_space<vmem>>) offsets(%dma_start3A_8 : memref<512xi32, #tpu.memory_space<vmem>>) semaphore(%arg9 : memref<!tpu.dma_semaphore, #tpu.memory_space<semaphore_mem>>)
    %dma_start3A_12 = arith.constant 1 : i32
    %dma_start3A_13 = arith.constant 0 : i32
    %dma_start3A_14 = arith.constant 0 : i32
    %dma_start3A_15 = tpu.memref_slice %arg7[%dma_start3A_12, %dma_start3A_13, %dma_start3A_14] : memref<2x512x64xf32, #tpu.memory_space<vmem>> -> memref<1x512x64xf32, #tpu.memory_space<vmem>>
    %dma_start3A_16 = tpu.memref_squeeze %dma_start3A_15 : memref<1x512x64xf32, #tpu.memory_space<vmem>> -> memref<512x64xf32, #tpu.memory_space<vmem>>
    %dma_start3A_17 = arith.constant 512 : i32
    %dma_start3A_18 = tpu.memref_slice %arg6[%dma_start3A_17] : memref<25600xi32, #tpu.memory_space<vmem>> -> memref<512xi32, #tpu.memory_space<vmem>>
    %dma_start3A_19 = arith.constant 0 : i32
    %dma_start3A_20 = arith.constant 0 : i32
    %dma_start3A_21 = tpu.memref_slice %arg3[%dma_start3A_19, %dma_start3A_20] : memref<1000000x64xf32, #tpu.memory_space<hbm>> -> memref<1000000x64xf32, #tpu.memory_space<hbm>>
    tpu.enqueue_indirect_dma source(%dma_start3A_21 : memref<1000000x64xf32, #tpu.memory_space<hbm>>) target(%dma_start3A_16 : memref<512x64xf32, #tpu.memory_space<vmem>>) offsets(%dma_start3A_18 : memref<512xi32, #tpu.memory_space<vmem>>) semaphore(%arg10 : memref<!tpu.dma_semaphore, #tpu.memory_space<semaphore_mem>>)
    %scan3A = arith.constant 0 : i32
    %scan3A_22 = arith.constant 0 : i32
    %scan3A_23 = arith.constant 25 : i32
    %scan3A_24 = arith.addi %scan3A_22, %scan3A_23 : i32
    %scan3A_25 = arith.constant 1 : i32
    %scan3A_26 = scf.for %scan3A_53 = %scan3A_22 to %scan3A_24 step %scan3A_25 iter_args(%scan3A_54 = %scan3A) -> (i32)  : i32 {
      %dma_wait3A_55 = arith.constant 0 : i32
      %dma_wait3A_56 = arith.constant 0 : i32
      %dma_wait3A_57 = arith.constant 0 : i32
      %dma_wait3A_58 = tpu.memref_slice %arg7[%dma_wait3A_55, %dma_wait3A_56, %dma_wait3A_57] : memref<2x512x64xf32, #tpu.memory_space<vmem>> -> memref<1x512x64xf32, #tpu.memory_space<vmem>>
      %dma_wait3A_59 = tpu.memref_squeeze %dma_wait3A_58 : memref<1x512x64xf32, #tpu.memory_space<vmem>> -> memref<512x64xf32, #tpu.memory_space<vmem>>
      %dma_wait3A_60 = arith.constant 0 : i32
      %dma_wait3A_61 = tpu.memref_slice %arg6[%dma_wait3A_60] : memref<25600xi32, #tpu.memory_space<vmem>> -> memref<512xi32, #tpu.memory_space<vmem>>
      %dma_wait3A_62 = arith.constant 0 : i32
      %dma_wait3A_63 = arith.constant 0 : i32
      %dma_wait3A_64 = tpu.memref_slice %arg3[%dma_wait3A_62, %dma_wait3A_63] : memref<1000000x64xf32, #tpu.memory_space<hbm>> -> memref<1000000x64xf32, #tpu.memory_space<hbm>>
      tpu.wait_indirect_dma semaphore(%arg9 : memref<!tpu.dma_semaphore, #tpu.memory_space<semaphore_mem>>) src(%dma_wait3A_64 : memref<1000000x64xf32, #tpu.memory_space<hbm>>) dst(%dma_wait3A_59 : memref<512x64xf32, #tpu.memory_space<vmem>>)
      %scan3A_65 = arith.constant 0 : i32
      %scan3A_66 = arith.constant 0 : i32
      %scan3A_67 = arith.constant 64 : i32
      %scan3A_68 = arith.addi %scan3A_66, %scan3A_67 : i32
      %scan3A_69 = arith.constant 1 : i32
      %scan3A_70 = scf.for %scan3A_132 = %scan3A_66 to %scan3A_68 step %scan3A_69 iter_args(%scan3A_133 = %scan3A_65) -> (i32)  : i32 {
        %mul3A_134 = arith.constant 8 : i32
        %mul3A_135 = arith.muli %scan3A_132, %mul3A_134 : i32
        %get3A = arith.constant 0 : i32
        %get3A_136 = arith.index_cast %get3A : i32 to index
        %get3A_137 = arith.index_cast %mul3A_135 : i32 to index
        %get3A_138 = arith.constant 0 : index
        %get3A_139 = tpu.vector_load %arg7[%get3A_136, %get3A_137, %get3A_138] {strides = array<i32>} : memref<2x512x64xf32, #tpu.memory_space<vmem>>, vector<1x1x16xf32>,
        %get3A_140 = vector.shape_cast %get3A_139 : vector<1x1x16xf32> to vector<16xf32>
        %get3A_141 = arith.constant 0 : index
        %get3A_142 = tpu.vector_load %arg8[%get3A_141] {strides = array<i32>} : memref<64xf32, #tpu.memory_space<vmem>>, vector<16xf32>,
        %get3A_143 = vector.shape_cast %get3A_142 : vector<16xf32> to vector<16xf32>
        %add3A_144 = arith.addf %get3A_140, %get3A_143 : vector<16xf32>
        %swap3A = arith.constant 0 : i32
        %swap3A_145 = arith.index_cast %swap3A : i32 to index
        %swap3A_146 = arith.index_cast %mul3A_135 : i32 to index
        %swap3A_147 = arith.constant 0 : index
        %swap3A_148 = tpu.vector_load %arg7[%swap3A_145, %swap3A_146, %swap3A_147] {strides = array<i32>} : memref<2x512x64xf32, #tpu.memory_space<vmem>>, vector<1x1x16xf32>,
        %swap3A_149 = vector.shape_cast %swap3A_148 : vector<1x1x16xf32> to vector<16xf32>
        %swap3A_150 = vector.shape_cast %add3A_144 : vector<16xf32> to vector<1x1x16xf32>
        tpu.vector_store %arg7[%swap3A_145, %swap3A_146, %swap3A_147], %swap3A_150 {strides = array<i32>} : memref<2x512x64xf32, #tpu.memory_space<vmem>>, vector<1x1x16xf32>,
        %get3A_151 = arith.constant 0 : i32
        %get3A_152 = arith.index_cast %get3A_151 : i32 to index
        %get3A_153 = arith.index_cast %mul3A_135 : i32 to index
        %get3A_154 = arith.constant 16 : index
        %get3A_155 = tpu.vector_load %arg7[%get3A_152, %get3A_153, %get3A_154] {strides = array<i32>} : memref<2x512x64xf32, #tpu.memory_space<vmem>>, vector<1x1x16xf32>,
        %get3A_156 = vector.shape_cast %get3A_155 : vector<1x1x16xf32> to vector<16xf32>
        %get3A_157 = arith.constant 16 : index
        %get3A_158 = tpu.vector_load %arg8[%get3A_157] {strides = array<i32>} : memref<64xf32, #tpu.memory_space<vmem>>, vector<16xf32>,
        %get3A_159 = vector.shape_cast %get3A_158 : vector<16xf32> to vector<16xf32>
        %add3A_160 = arith.addf %get3A_156, %get3A_159 : vector<16xf32>
        %swap3A_161 = arith.constant 0 : i32
        %swap3A_162 = arith.index_cast %swap3A_161 : i32 to index
        %swap3A_163 = arith.index_cast %mul3A_135 : i32 to index
        %swap3A_164 = arith.constant 16 : index
        %swap3A_165 = tpu.vector_load %arg7[%swap3A_162, %swap3A_163, %swap3A_164] {strides = array<i32>} : memref<2x512x64xf32, #tpu.memory_space<vmem>>, vector<1x1x16xf32>,
        %swap3A_166 = vector.shape_cast %swap3A_165 : vector<1x1x16xf32> to vector<16xf32>
        %swap3A_167 = vector.shape_cast %add3A_160 : vector<16xf32> to vector<1x1x16xf32>
        tpu.vector_store %arg7[%swap3A_162, %swap3A_163, %swap3A_164], %swap3A_167 {strides = array<i32>} : memref<2x512x64xf32, #tpu.memory_space<vmem>>, vector<1x1x16xf32>,
        %get3A_168 = arith.constant 0 : i32
        %get3A_169 = arith.index_cast %get3A_168 : i32 to index
        %get3A_170 = arith.index_cast %mul3A_135 : i32 to index
        %get3A_171 = arith.constant 32 : index
        %get3A_172 = tpu.vector_load %arg7[%get3A_169, %get3A_170, %get3A_171] {strides = array<i32>} : memref<2x512x64xf32, #tpu.memory_space<vmem>>, vector<1x1x16xf32>,
        %get3A_173 = vector.shape_cast %get3A_172 : vector<1x1x16xf32> to vector<16xf32>
        %get3A_174 = arith.constant 32 : index
        %get3A_175 = tpu.vector_load %arg8[%get3A_174] {strides = array<i32>} : memref<64xf32, #tpu.memory_space<vmem>>, vector<16xf32>,
        %get3A_176 = vector.shape_cast %get3A_175 : vector<16xf32> to vector<16xf32>
        %add3A_177 = arith.addf %get3A_173, %get3A_176 : vector<16xf32>
        %swap3A_178 = arith.constant 0 : i32
        %swap3A_179 = arith.index_cast %swap3A_178 : i32 to index
        %swap3A_180 = arith.index_cast %mul3A_135 : i32 to index
        %swap3A_181 = arith.constant 32 : index
        %swap3A_182 = tpu.vector_load %arg7[%swap3A_179, %swap3A_180, %swap3A_181] {strides = array<i32>} : memref<2x512x64xf32, #tpu.memory_space<vmem>>, vector<1x1x16xf32>,
        %swap3A_183 = vector.shape_cast %swap3A_182 : vector<1x1x16xf32> to vector<16xf32>
        %swap3A_184 = vector.shape_cast %add3A_177 : vector<16xf32> to vector<1x1x16xf32>
        tpu.vector_store %arg7[%swap3A_179, %swap3A_180, %swap3A_181], %swap3A_184 {strides = array<i32>} : memref<2x512x64xf32, #tpu.memory_space<vmem>>, vector<1x1x16xf32>,
        %get3A_185 = arith.constant 0 : i32
        %get3A_186 = arith.index_cast %get3A_185 : i32 to index
        %get3A_187 = arith.index_cast %mul3A_135 : i32 to index
        %get3A_188 = arith.constant 48 : index
        %get3A_189 = tpu.vector_load %arg7[%get3A_186, %get3A_187, %get3A_188] {strides = array<i32>} : memref<2x512x64xf32, #tpu.memory_space<vmem>>, vector<1x1x16xf32>,
        %get3A_190 = vector.shape_cast %get3A_189 : vector<1x1x16xf32> to vector<16xf32>
        %get3A_191 = arith.constant 48 : index
        %get3A_192 = tpu.vector_load %arg8[%get3A_191] {strides = array<i32>} : memref<64xf32, #tpu.memory_space<vmem>>, vector<16xf32>,
        %get3A_193 = vector.shape_cast %get3A_192 : vector<16xf32> to vector<16xf32>
        %add3A_194 = arith.addf %get3A_190, %get3A_193 : vector<16xf32>
        %swap3A_195 = arith.constant 0 : i32
        %swap3A_196 = arith.index_cast %swap3A_195 : i32 to index
        %swap3A_197 = arith.index_cast %mul3A_135 : i32 to index
        %swap3A_198 = arith.constant 48 : index
        %swap3A_199 = tpu.vector_load %arg7[%swap3A_196, %swap3A_197, %swap3A_198] {strides = array<i32>} : memref<2x512x64xf32, #tpu.memory_space<vmem>>, vector<1x1x16xf32>,
        %swap3A_200 = vector.shape_cast %swap3A_199 : vector<1x1x16xf32> to vector<16xf32>
        %swap3A_201 = vector.shape_cast %add3A_194 : vector<16xf32> to vector<1x1x16xf32>
        tpu.vector_store %arg7[%swap3A_196, %swap3A_197, %swap3A_198], %swap3A_201 {strides = array<i32>} : memref<2x512x64xf32, #tpu.memory_space<vmem>>, vector<1x1x16xf32>,
        %scan3A_202 = arith.constant 0 : i32
        scf.yield %scan3A_202 : i32
      }
      %scan3A_71 = arith.constant 64 : i32
      %mul3A_72 = arith.constant 2 : i32
      %mul3A_73 = arith.muli %scan3A_53, %mul3A_72 : i32
      %add3A_74 = arith.constant 0 : i32
      %add3A_75 = arith.addi %mul3A_73, %add3A_74 : i32
      %mul3A_76 = arith.constant 512 : i32
      %mul3A_77 = arith.muli %add3A_75, %mul3A_76 : i32
      %add3A_78 = arith.addi %mul3A_2, %mul3A_77 : i32
      %dma_start3A_79 = arith.constant 0 : i32
      %dma_start3A_80 = arith.constant 0 : i32
      %dma_start3A_81 = arith.constant 0 : i32
      %dma_start3A_82 = tpu.memref_slice %arg7[%dma_start3A_79, %dma_start3A_80, %dma_start3A_81] : memref<2x512x64xf32, #tpu.memory_space<vmem>> -> memref<1x512x64xf32, #tpu.memory_space<vmem>>
      %dma_start3A_83 = tpu.memref_squeeze %dma_start3A_82 : memref<1x512x64xf32, #tpu.memory_space<vmem>> -> memref<512x64xf32, #tpu.memory_space<vmem>>
      %dma_start3A_84 = arith.constant 0 : i32
      %dma_start3A_85 = tpu.memref_slice %arg5[%add3A_78, %dma_start3A_84] : memref<819200x64xf32, #tpu.memory_space<hbm>> -> memref<512x64xf32, #tpu.memory_space<hbm>>
      %dma_start3A_86 = arith.constant 0 : i32
      %dma_start3A_87 = tpu.memref_slice %arg5[%add3A_78, %dma_start3A_86] : memref<819200x64xf32, #tpu.memory_space<hbm>> -> memref<512x64xf32, #tpu.memory_space<hbm>>
      %dma_start3A_88 = arith.constant 0 : i32
      %dma_start3A_89 = arith.constant 0 : i32
      %dma_start3A_90 = tpu.memref_slice %arg7[%dma_start3A_79, %dma_start3A_88, %dma_start3A_89] : memref<2x512x64xf32, #tpu.memory_space<vmem>> -> memref<1x512x64xf32, #tpu.memory_space<vmem>>
      %dma_start3A_91 = tpu.memref_squeeze %dma_start3A_90 : memref<1x512x64xf32, #tpu.memory_space<vmem>> -> memref<512x64xf32, #tpu.memory_space<vmem>>
      tpu.enqueue_dma source(%dma_start3A_91 : memref<512x64xf32, #tpu.memory_space<vmem>>) target(%dma_start3A_87 : memref<512x64xf32, #tpu.memory_space<hbm>>) target_semaphore(%arg11 : memref<!tpu.dma_semaphore, #tpu.memory_space<semaphore_mem>>)
      %dma_wait3A_92 = arith.constant 1 : i32
      %dma_wait3A_93 = arith.constant 0 : i32
      %dma_wait3A_94 = arith.constant 0 : i32
      %dma_wait3A_95 = tpu.memref_slice %arg7[%dma_wait3A_92, %dma_wait3A_93, %dma_wait3A_94] : memref<2x512x64xf32, #tpu.memory_space<vmem>> -> memref<1x512x64xf32, #tpu.memory_space<vmem>>
      %dma_wait3A_96 = tpu.memref_squeeze %dma_wait3A_95 : memref<1x512x64xf32, #tpu.memory_space<vmem>> -> memref<512x64xf32, #tpu.memory_space<vmem>>
      %dma_wait3A_97 = arith.constant 0 : i32
      %dma_wait3A_98 = tpu.memref_slice %arg6[%dma_wait3A_97] : memref<25600xi32, #tpu.memory_space<vmem>> -> memref<512xi32, #tpu.memory_space<vmem>>
      %dma_wait3A_99 = arith.constant 0 : i32
      %dma_wait3A_100 = arith.constant 0 : i32
      %dma_wait3A_101 = tpu.memref_slice %arg3[%dma_wait3A_99, %dma_wait3A_100] : memref<1000000x64xf32, #tpu.memory_space<hbm>> -> memref<1000000x64xf32, #tpu.memory_space<hbm>>
      tpu.wait_indirect_dma semaphore(%arg10 : memref<!tpu.dma_semaphore, #tpu.memory_space<semaphore_mem>>) src(%dma_wait3A_101 : memref<1000000x64xf32, #tpu.memory_space<hbm>>) dst(%dma_wait3A_96 : memref<512x64xf32, #tpu.memory_space<vmem>>)
      %scan3A_102 = arith.constant 0 : i32
      %scan3A_103 = arith.constant 0 : i32
      %scan3A_104 = arith.constant 64 : i32
      %scan3A_105 = arith.addi %scan3A_103, %scan3A_104 : i32
      %scan3A_106 = arith.constant 1 : i32
      %scan3A_107 = scf.for %scan3A_132 = %scan3A_103 to %scan3A_105 step %scan3A_106 iter_args(%scan3A_133 = %scan3A_102) -> (i32)  : i32 {
        %mul3A_134 = arith.constant 8 : i32
        %mul3A_135 = arith.muli %scan3A_132, %mul3A_134 : i32
        %get3A = arith.constant 1 : i32
        %get3A_136 = arith.index_cast %get3A : i32 to index
        %get3A_137 = arith.index_cast %mul3A_135 : i32 to index
        %get3A_138 = arith.constant 0 : index
        %get3A_139 = tpu.vector_load %arg7[%get3A_136, %get3A_137, %get3A_138] {strides = array<i32>} : memref<2x512x64xf32, #tpu.memory_space<vmem>>, vector<1x1x16xf32>,
        %get3A_140 = vector.shape_cast %get3A_139 : vector<1x1x16xf32> to vector<16xf32>
        %get3A_141 = arith.constant 0 : index
        %get3A_142 = tpu.vector_load %arg8[%get3A_141] {strides = array<i32>} : memref<64xf32, #tpu.memory_space<vmem>>, vector<16xf32>,
        %get3A_143 = vector.shape_cast %get3A_142 : vector<16xf32> to vector<16xf32>
        %add3A_144 = arith.addf %get3A_140, %get3A_143 : vector<16xf32>
        %swap3A = arith.constant 1 : i32
        %swap3A_145 = arith.index_cast %swap3A : i32 to index
        %swap3A_146 = arith.index_cast %mul3A_135 : i32 to index
        %swap3A_147 = arith.constant 0 : index
        %swap3A_148 = tpu.vector_load %arg7[%swap3A_145, %swap3A_146, %swap3A_147] {strides = array<i32>} : memref<2x512x64xf32, #tpu.memory_space<vmem>>, vector<1x1x16xf32>,
        %swap3A_149 = vector.shape_cast %swap3A_148 : vector<1x1x16xf32> to vector<16xf32>
        %swap3A_150 = vector.shape_cast %add3A_144 : vector<16xf32> to vector<1x1x16xf32>
        tpu.vector_store %arg7[%swap3A_145, %swap3A_146, %swap3A_147], %swap3A_150 {strides = array<i32>} : memref<2x512x64xf32, #tpu.memory_space<vmem>>, vector<1x1x16xf32>,
        %get3A_151 = arith.constant 1 : i32
        %get3A_152 = arith.index_cast %get3A_151 : i32 to index
        %get3A_153 = arith.index_cast %mul3A_135 : i32 to index
        %get3A_154 = arith.constant 16 : index
        %get3A_155 = tpu.vector_load %arg7[%get3A_152, %get3A_153, %get3A_154] {strides = array<i32>} : memref<2x512x64xf32, #tpu.memory_space<vmem>>, vector<1x1x16xf32>,
        %get3A_156 = vector.shape_cast %get3A_155 : vector<1x1x16xf32> to vector<16xf32>
        %get3A_157 = arith.constant 16 : index
        %get3A_158 = tpu.vector_load %arg8[%get3A_157] {strides = array<i32>} : memref<64xf32, #tpu.memory_space<vmem>>, vector<16xf32>,
        %get3A_159 = vector.shape_cast %get3A_158 : vector<16xf32> to vector<16xf32>
        %add3A_160 = arith.addf %get3A_156, %get3A_159 : vector<16xf32>
        %swap3A_161 = arith.constant 1 : i32
        %swap3A_162 = arith.index_cast %swap3A_161 : i32 to index
        %swap3A_163 = arith.index_cast %mul3A_135 : i32 to index
        %swap3A_164 = arith.constant 16 : index
        %swap3A_165 = tpu.vector_load %arg7[%swap3A_162, %swap3A_163, %swap3A_164] {strides = array<i32>} : memref<2x512x64xf32, #tpu.memory_space<vmem>>, vector<1x1x16xf32>,
        %swap3A_166 = vector.shape_cast %swap3A_165 : vector<1x1x16xf32> to vector<16xf32>
        %swap3A_167 = vector.shape_cast %add3A_160 : vector<16xf32> to vector<1x1x16xf32>
        tpu.vector_store %arg7[%swap3A_162, %swap3A_163, %swap3A_164], %swap3A_167 {strides = array<i32>} : memref<2x512x64xf32, #tpu.memory_space<vmem>>, vector<1x1x16xf32>,
        %get3A_168 = arith.constant 1 : i32
        %get3A_169 = arith.index_cast %get3A_168 : i32 to index
        %get3A_170 = arith.index_cast %mul3A_135 : i32 to index
        %get3A_171 = arith.constant 32 : index
        %get3A_172 = tpu.vector_load %arg7[%get3A_169, %get3A_170, %get3A_171] {strides = array<i32>} : memref<2x512x64xf32, #tpu.memory_space<vmem>>, vector<1x1x16xf32>,
        %get3A_173 = vector.shape_cast %get3A_172 : vector<1x1x16xf32> to vector<16xf32>
        %get3A_174 = arith.constant 32 : index
        %get3A_175 = tpu.vector_load %arg8[%get3A_174] {strides = array<i32>} : memref<64xf32, #tpu.memory_space<vmem>>, vector<16xf32>,
        %get3A_176 = vector.shape_cast %get3A_175 : vector<16xf32> to vector<16xf32>
        %add3A_177 = arith.addf %get3A_173, %get3A_176 : vector<16xf32>
        %swap3A_178 = arith.constant 1 : i32
        %swap3A_179 = arith.index_cast %swap3A_178 : i32 to index
        %swap3A_180 = arith.index_cast %mul3A_135 : i32 to index
        %swap3A_181 = arith.constant 32 : index
        %swap3A_182 = tpu.vector_load %arg7[%swap3A_179, %swap3A_180, %swap3A_181] {strides = array<i32>} : memref<2x512x64xf32, #tpu.memory_space<vmem>>, vector<1x1x16xf32>,
        %swap3A_183 = vector.shape_cast %swap3A_182 : vector<1x1x16xf32> to vector<16xf32>
        %swap3A_184 = vector.shape_cast %add3A_177 : vector<16xf32> to vector<1x1x16xf32>
        tpu.vector_store %arg7[%swap3A_179, %swap3A_180, %swap3A_181], %swap3A_184 {strides = array<i32>} : memref<2x512x64xf32, #tpu.memory_space<vmem>>, vector<1x1x16xf32>,
        %get3A_185 = arith.constant 1 : i32
        %get3A_186 = arith.index_cast %get3A_185 : i32 to index
        %get3A_187 = arith.index_cast %mul3A_135 : i32 to index
        %get3A_188 = arith.constant 48 : index
        %get3A_189 = tpu.vector_load %arg7[%get3A_186, %get3A_187, %get3A_188] {strides = array<i32>} : memref<2x512x64xf32, #tpu.memory_space<vmem>>, vector<1x1x16xf32>,
        %get3A_190 = vector.shape_cast %get3A_189 : vector<1x1x16xf32> to vector<16xf32>
        %get3A_191 = arith.constant 48 : index
        %get3A_192 = tpu.vector_load %arg8[%get3A_191] {strides = array<i32>} : memref<64xf32, #tpu.memory_space<vmem>>, vector<16xf32>,
        %get3A_193 = vector.shape_cast %get3A_192 : vector<16xf32> to vector<16xf32>
        %add3A_194 = arith.addf %get3A_190, %get3A_193 : vector<16xf32>
        %swap3A_195 = arith.constant 1 : i32
        %swap3A_196 = arith.index_cast %swap3A_195 : i32 to index
        %swap3A_197 = arith.index_cast %mul3A_135 : i32 to index
        %swap3A_198 = arith.constant 48 : index
        %swap3A_199 = tpu.vector_load %arg7[%swap3A_196, %swap3A_197, %swap3A_198] {strides = array<i32>} : memref<2x512x64xf32, #tpu.memory_space<vmem>>, vector<1x1x16xf32>,
        %swap3A_200 = vector.shape_cast %swap3A_199 : vector<1x1x16xf32> to vector<16xf32>
        %swap3A_201 = vector.shape_cast %add3A_194 : vector<16xf32> to vector<1x1x16xf32>
        tpu.vector_store %arg7[%swap3A_196, %swap3A_197, %swap3A_198], %swap3A_201 {strides = array<i32>} : memref<2x512x64xf32, #tpu.memory_space<vmem>>, vector<1x1x16xf32>,
        %scan3A_202 = arith.constant 0 : i32
        scf.yield %scan3A_202 : i32
      }
      %scan3A_108 = arith.constant 64 : i32
      %mul3A_109 = arith.constant 2 : i32
      %mul3A_110 = arith.muli %scan3A_53, %mul3A_109 : i32
      %add3A_111 = arith.constant 1 : i32
      %add3A_112 = arith.addi %mul3A_110, %add3A_111 : i32
      %mul3A_113 = arith.constant 512 : i32
      %mul3A_114 = arith.muli %add3A_112, %mul3A_113 : i32
      %add3A_115 = arith.addi %mul3A_2, %mul3A_114 : i32
      %dma_start3A_116 = arith.constant 1 : i32
      %dma_start3A_117 = arith.constant 0 : i32
      %dma_start3A_118 = arith.constant 0 : i32
      %dma_start3A_119 = tpu.memref_slice %arg7[%dma_start3A_116, %dma_start3A_117, %dma_start3A_118] : memref<2x512x64xf32, #tpu.memory_space<vmem>> -> memref<1x512x64xf32, #tpu.memory_space<vmem>>
      %dma_start3A_120 = tpu.memref_squeeze %dma_start3A_119 : memref<1x512x64xf32, #tpu.memory_space<vmem>> -> memref<512x64xf32, #tpu.memory_space<vmem>>
      %dma_start3A_121 = arith.constant 0 : i32
      %dma_start3A_122 = tpu.memref_slice %arg5[%add3A_115, %dma_start3A_121] : memref<819200x64xf32, #tpu.memory_space<hbm>> -> memref<512x64xf32, #tpu.memory_space<hbm>>
      %dma_start3A_123 = arith.constant 0 : i32
      %dma_start3A_124 = tpu.memref_slice %arg5[%add3A_115, %dma_start3A_123] : memref<819200x64xf32, #tpu.memory_space<hbm>> -> memref<512x64xf32, #tpu.memory_space<hbm>>
      %dma_start3A_125 = arith.constant 0 : i32
      %dma_start3A_126 = arith.constant 0 : i32
      %dma_start3A_127 = tpu.memref_slice %arg7[%dma_start3A_116, %dma_start3A_125, %dma_start3A_126] : memref<2x512x64xf32, #tpu.memory_space<vmem>> -> memref<1x512x64xf32, #tpu.memory_space<vmem>>
      %dma_start3A_128 = tpu.memref_squeeze %dma_start3A_127 : memref<1x512x64xf32, #tpu.memory_space<vmem>> -> memref<512x64xf32, #tpu.memory_space<vmem>>
      tpu.enqueue_dma source(%dma_start3A_128 : memref<512x64xf32, #tpu.memory_space<vmem>>) target(%dma_start3A_124 : memref<512x64xf32, #tpu.memory_space<hbm>>) target_semaphore(%arg12 : memref<!tpu.dma_semaphore, #tpu.memory_space<semaphore_mem>>)
      %ne3A = arith.constant 24 : i32
      %ne3A_129 = arith.cmpi ne, %scan3A_53, %ne3A : i32
      %convert_element_type3A = arith.extui %ne3A_129 : i1 to i32
      %cond3A = arith.constant 0 : i32
      %cond3A_130 = arith.cmpi ne, %convert_element_type3A, %cond3A : i32
      scf.if %cond3A_130 {
        %dma_wait3A_132 = arith.constant 0 : i32
        %dma_wait3A_133 = arith.constant 0 : i32
        %dma_wait3A_134 = arith.constant 0 : i32
        %dma_wait3A_135 = tpu.memref_slice %arg7[%dma_wait3A_132, %dma_wait3A_133, %dma_wait3A_134] : memref<2x512x64xf32, #tpu.memory_space<vmem>> -> memref<1x512x64xf32, #tpu.memory_space<vmem>>
        %dma_wait3A_136 = tpu.memref_squeeze %dma_wait3A_135 : memref<1x512x64xf32, #tpu.memory_space<vmem>> -> memref<512x64xf32, #tpu.memory_space<vmem>>
        %dma_wait3A_137 = arith.constant 0 : i32
        %dma_wait3A_138 = tpu.memref_slice %arg5[%mul3A_2, %dma_wait3A_137] : memref<819200x64xf32, #tpu.memory_space<hbm>> -> memref<512x64xf32, #tpu.memory_space<hbm>>
        %dma_wait3A_139 = arith.constant 0 : i32
        %dma_wait3A_140 = tpu.memref_slice %arg5[%mul3A_2, %dma_wait3A_139] : memref<819200x64xf32, #tpu.memory_space<hbm>> -> memref<512x64xf32, #tpu.memory_space<hbm>>
        %dma_wait3A_141 = arith.constant 0 : i32
        %dma_wait3A_142 = arith.constant 0 : i32
        %dma_wait3A_143 = tpu.memref_slice %arg7[%dma_wait3A_132, %dma_wait3A_141, %dma_wait3A_142] : memref<2x512x64xf32, #tpu.memory_space<vmem>> -> memref<1x512x64xf32, #tpu.memory_space<vmem>>
        %dma_wait3A_144 = tpu.memref_squeeze %dma_wait3A_143 : memref<1x512x64xf32, #tpu.memory_space<vmem>> -> memref<512x64xf32, #tpu.memory_space<vmem>>
        tpu.wait_dma2 semaphore(%arg11 : memref<!tpu.dma_semaphore, #tpu.memory_space<semaphore_mem>>) src(%dma_wait3A_144 : memref<512x64xf32, #tpu.memory_space<vmem>>) dst(%dma_wait3A_140 : memref<512x64xf32, #tpu.memory_space<hbm>>)
        %add3A_145 = arith.constant 1 : i32
        %add3A_146 = arith.addi %scan3A_53, %add3A_145 : i32
        %mul3A_147 = arith.constant 2 : i32
        %mul3A_148 = arith.muli %add3A_146, %mul3A_147 : i32
        %add3A_149 = arith.constant 0 : i32
        %add3A_150 = arith.addi %mul3A_148, %add3A_149 : i32
        %mul3A_151 = arith.constant 512 : i32
        %mul3A_152 = arith.muli %add3A_150, %mul3A_151 : i32
        %dma_start3A_153 = arith.constant 0 : i32
        %dma_start3A_154 = arith.constant 0 : i32
        %dma_start3A_155 = arith.constant 0 : i32
        %dma_start3A_156 = tpu.memref_slice %arg7[%dma_start3A_153, %dma_start3A_154, %dma_start3A_155] : memref<2x512x64xf32, #tpu.memory_space<vmem>> -> memref<1x512x64xf32, #tpu.memory_space<vmem>>
        %dma_start3A_157 = tpu.memref_squeeze %dma_start3A_156 : memref<1x512x64xf32, #tpu.memory_space<vmem>> -> memref<512x64xf32, #tpu.memory_space<vmem>>
        %dma_start3A_158 = tpu.memref_slice %arg6[%mul3A_152] : memref<25600xi32, #tpu.memory_space<vmem>> -> memref<512xi32, #tpu.memory_space<vmem>>
        %dma_start3A_159 = arith.constant 0 : i32
        %dma_start3A_160 = arith.constant 0 : i32
        %dma_start3A_161 = tpu.memref_slice %arg3[%dma_start3A_159, %dma_start3A_160] : memref<1000000x64xf32, #tpu.memory_space<hbm>> -> memref<1000000x64xf32, #tpu.memory_space<hbm>>
        tpu.enqueue_indirect_dma source(%dma_start3A_161 : memref<1000000x64xf32, #tpu.memory_space<hbm>>) target(%dma_start3A_157 : memref<512x64xf32, #tpu.memory_space<vmem>>) offsets(%dma_start3A_158 : memref<512xi32, #tpu.memory_space<vmem>>) semaphore(%arg9 : memref<!tpu.dma_semaphore, #tpu.memory_space<semaphore_mem>>)
        %dma_wait3A_162 = arith.constant 1 : i32
        %dma_wait3A_163 = arith.constant 0 : i32
        %dma_wait3A_164 = arith.constant 0 : i32
        %dma_wait3A_165 = tpu.memref_slice %arg7[%dma_wait3A_162, %dma_wait3A_163, %dma_wait3A_164] : memref<2x512x64xf32, #tpu.memory_space<vmem>> -> memref<1x512x64xf32, #tpu.memory_space<vmem>>
        %dma_wait3A_166 = tpu.memref_squeeze %dma_wait3A_165 : memref<1x512x64xf32, #tpu.memory_space<vmem>> -> memref<512x64xf32, #tpu.memory_space<vmem>>
        %dma_wait3A_167 = arith.constant 0 : i32
        %dma_wait3A_168 = tpu.memref_slice %arg5[%mul3A_2, %dma_wait3A_167] : memref<819200x64xf32, #tpu.memory_space<hbm>> -> memref<512x64xf32, #tpu.memory_space<hbm>>
        %dma_wait3A_169 = arith.constant 0 : i32
        %dma_wait3A_170 = tpu.memref_slice %arg5[%mul3A_2, %dma_wait3A_169] : memref<819200x64xf32, #tpu.memory_space<hbm>> -> memref<512x64xf32, #tpu.memory_space<hbm>>
        %dma_wait3A_171 = arith.constant 0 : i32
        %dma_wait3A_172 = arith.constant 0 : i32
        %dma_wait3A_173 = tpu.memref_slice %arg7[%dma_wait3A_162, %dma_wait3A_171, %dma_wait3A_172] : memref<2x512x64xf32, #tpu.memory_space<vmem>> -> memref<1x512x64xf32, #tpu.memory_space<vmem>>
        %dma_wait3A_174 = tpu.memref_squeeze %dma_wait3A_173 : memref<1x512x64xf32, #tpu.memory_space<vmem>> -> memref<512x64xf32, #tpu.memory_space<vmem>>
        tpu.wait_dma2 semaphore(%arg12 : memref<!tpu.dma_semaphore, #tpu.memory_space<semaphore_mem>>) src(%dma_wait3A_174 : memref<512x64xf32, #tpu.memory_space<vmem>>) dst(%dma_wait3A_170 : memref<512x64xf32, #tpu.memory_space<hbm>>)
        %add3A_175 = arith.constant 1 : i32
        %add3A_176 = arith.addi %scan3A_53, %add3A_175 : i32
        %mul3A_177 = arith.constant 2 : i32
        %mul3A_178 = arith.muli %add3A_176, %mul3A_177 : i32
        %add3A_179 = arith.constant 1 : i32
        %add3A_180 = arith.addi %mul3A_178, %add3A_179 : i32
        %mul3A_181 = arith.constant 512 : i32
        %mul3A_182 = arith.muli %add3A_180, %mul3A_181 : i32
        %dma_start3A_183 = arith.constant 1 : i32
        %dma_start3A_184 = arith.constant 0 : i32
        %dma_start3A_185 = arith.constant 0 : i32
        %dma_start3A_186 = tpu.memref_slice %arg7[%dma_start3A_183, %dma_start3A_184, %dma_start3A_185] : memref<2x512x64xf32, #tpu.memory_space<vmem>> -> memref<1x512x64xf32, #tpu.memory_space<vmem>>
        %dma_start3A_187 = tpu.memref_squeeze %dma_start3A_186 : memref<1x512x64xf32, #tpu.memory_space<vmem>> -> memref<512x64xf32, #tpu.memory_space<vmem>>
        %dma_start3A_188 = tpu.memref_slice %arg6[%mul3A_182] : memref<25600xi32, #tpu.memory_space<vmem>> -> memref<512xi32, #tpu.memory_space<vmem>>
        %dma_start3A_189 = arith.constant 0 : i32
        %dma_start3A_190 = arith.constant 0 : i32
        %dma_start3A_191 = tpu.memref_slice %arg3[%dma_start3A_189, %dma_start3A_190] : memref<1000000x64xf32, #tpu.memory_space<hbm>> -> memref<1000000x64xf32, #tpu.memory_space<hbm>>
        tpu.enqueue_indirect_dma source(%dma_start3A_191 : memref<1000000x64xf32, #tpu.memory_space<hbm>>) target(%dma_start3A_187 : memref<512x64xf32, #tpu.memory_space<vmem>>) offsets(%dma_start3A_188 : memref<512xi32, #tpu.memory_space<vmem>>) semaphore(%arg10 : memref<!tpu.dma_semaphore, #tpu.memory_space<semaphore_mem>>)
      } else {
      }
      %scan3A_131 = arith.constant 0 : i32
      scf.yield %scan3A_131 : i32
    }
    %scan3A_27 = arith.constant 25 : i32
    %dma_wait3A = arith.constant 0 : i32
    %dma_wait3A_28 = arith.constant 0 : i32
    %dma_wait3A_29 = arith.constant 0 : i32
    %dma_wait3A_30 = tpu.memref_slice %arg7[%dma_wait3A, %dma_wait3A_28, %dma_wait3A_29] : memref<2x512x64xf32, #tpu.memory_space<vmem>> -> memref<1x512x64xf32, #tpu.memory_space<vmem>>
    %dma_wait3A_31 = tpu.memref_squeeze %dma_wait3A_30 : memref<1x512x64xf32, #tpu.memory_space<vmem>> -> memref<512x64xf32, #tpu.memory_space<vmem>>
    %dma_wait3A_32 = arith.constant 0 : i32
    %dma_wait3A_33 = tpu.memref_slice %arg5[%mul3A_2, %dma_wait3A_32] : memref<819200x64xf32, #tpu.memory_space<hbm>> -> memref<512x64xf32, #tpu.memory_space<hbm>>
    %dma_wait3A_34 = arith.constant 0 : i32
    %dma_wait3A_35 = tpu.memref_slice %arg5[%mul3A_2, %dma_wait3A_34] : memref<819200x64xf32, #tpu.memory_space<hbm>> -> memref<512x64xf32, #tpu.memory_space<hbm>>
    %dma_wait3A_36 = arith.constant 0 : i32
    %dma_wait3A_37 = arith.constant 0 : i32
    %dma_wait3A_38 = tpu.memref_slice %arg7[%dma_wait3A, %dma_wait3A_36, %dma_wait3A_37] : memref<2x512x64xf32, #tpu.memory_space<vmem>> -> memref<1x512x64xf32, #tpu.memory_space<vmem>>
    %dma_wait3A_39 = tpu.memref_squeeze %dma_wait3A_38 : memref<1x512x64xf32, #tpu.memory_space<vmem>> -> memref<512x64xf32, #tpu.memory_space<vmem>>
    tpu.wait_dma2 semaphore(%arg11 : memref<!tpu.dma_semaphore, #tpu.memory_space<semaphore_mem>>) src(%dma_wait3A_39 : memref<512x64xf32, #tpu.memory_space<vmem>>) dst(%dma_wait3A_35 : memref<512x64xf32, #tpu.memory_space<hbm>>)
    %dma_wait3A_40 = arith.constant 1 : i32
    %dma_wait3A_41 = arith.constant 0 : i32
    %dma_wait3A_42 = arith.constant 0 : i32
    %dma_wait3A_43 = tpu.memref_slice %arg7[%dma_wait3A_40, %dma_wait3A_41, %dma_wait3A_42] : memref<2x512x64xf32, #tpu.memory_space<vmem>> -> memref<1x512x64xf32, #tpu.memory_space<vmem>>
    %dma_wait3A_44 = tpu.memref_squeeze %dma_wait3A_43 : memref<1x512x64xf32, #tpu.memory_space<vmem>> -> memref<512x64xf32, #tpu.memory_space<vmem>>
    %dma_wait3A_45 = arith.constant 0 : i32
    %dma_wait3A_46 = tpu.memref_slice %arg5[%mul3A_2, %dma_wait3A_45] : memref<819200x64xf32, #tpu.memory_space<hbm>> -> memref<512x64xf32, #tpu.memory_space<hbm>>
    %dma_wait3A_47 = arith.constant 0 : i32
    %dma_wait3A_48 = tpu.memref_slice %arg5[%mul3A_2, %dma_wait3A_47] : memref<819200x64xf32, #tpu.memory_space<hbm>> -> memref<512x64xf32, #tpu.memory_space<hbm>>
    %dma_wait3A_49 = arith.constant 0 : i32
    %dma_wait3A_50 = arith.constant 0 : i32
    %dma_wait3A_51 = tpu.memref_slice %arg7[%dma_wait3A_40, %dma_wait3A_49, %dma_wait3A_50] : memref<2x512x64xf32, #tpu.memory_space<vmem>> -> memref<1x512x64xf32, #tpu.memory_space<vmem>>
    %dma_wait3A_52 = tpu.memref_squeeze %dma_wait3A_51 : memref<1x512x64xf32, #tpu.memory_space<vmem>> -> memref<512x64xf32, #tpu.memory_space<vmem>>
    tpu.wait_dma2 semaphore(%arg12 : memref<!tpu.dma_semaphore, #tpu.memory_space<semaphore_mem>>) src(%dma_wait3A_52 : memref<512x64xf32, #tpu.memory_space<vmem>>) dst(%dma_wait3A_48 : memref<512x64xf32, #tpu.memory_space<hbm>>)
    return
  }
}

</mosaic_0001>

<sc_bundles>
// kernel: kernel.3.cloned.1.call-start
scs
__scs_entry_jumppad:
0x0: {  	(pc) =	sbr.rel $0x88, $3  }
0x1: {  	(tag) =	ssettag $0x0;
	lr =	simm.s32 $0x1  }
0x2: {  	[smem:$0x3F9E] =	sst lr;
	_ =	strace $0xD0000000  }
0x3: {  	_ = 	snop  }
0x4: {  	_ = 	snop  }
0x5: {  	_ = 	snop  }
0x6: {  	_ = 	snop  }
0x7: {  	_ = 	snop  }
__scs_overlays_trampoline_lowered:
0x8: {  	[smem:$0x3FAD] =	sst s0  }
0x9: {  	[smem:$0x3FAE] =	sst s1  }
0xa: {  	[smem:$0x3FAF] =	sst s2  }
0xb: {  	[smem:$0x3FB0] =	sst s3  }
0xc: {  	[smem:$0x3FB1] =	sst s4  }
0xd: {  	[smem:$0x3FB2] =	sst s5  }
0xe: {  	[smem:$0x3FB3] =	sst s6  }
0xf: {  	[smem:$0x3FB4] =	sst s7  }
0x10: {  	[smem:$0x3FB5] =	sst s8  }
0x11: {  	[smem:$0x3FB6] =	sst s9;
	s0 =	simm.s32 @!p0 $0x0  }
0x12: {  	s1 =	sld [smem:$0x3F9C];
	s0 =	simm.s32 @p0 $0x1  }
0x13: {  	[smem:$0x3FB7] =	sst s0;
	s0 =	simm.s32 @!p1 $0x0  }
0x14: {  	s2 =	sld [smem:$0x3F9B];
	s0 =	simm.s32 @p1 $0x1  }
0x15: {  	[smem:$0x3FB8] =	sst s0;
	s0 =	simm.s32 @!p2 $0x0  }
0x16: {  	s3 =	sld [smem:$0x3FDB];
	s0 =	simm.s32 @p2 $0x1  }
0x17: {  	s4 =	simm.s32 $0x1BF5;
	[smem:$0x3FBA] =	sst s0  }
0x18: {  	s0 =	sld [smem:$0x3F9D];
	_ =	swait.ge [sflag:s4], $0x0  }
0x19: {  	s7 =	sld [smem:$0x3F9E]  }
0x1a: {  	s8 =	sadd.s32 $0xFFFFE003, lr  }
0x1b: {  	s9 =	sadd.s32 $0xFFFFFEF7, lr;
	s5 =	simm.s32 $0xFFFFFFFF;
	p2 =	slt.u32 s8, $0xFFFFF086  }
0x1c: {  	p1 =	slt.u32 s9, $0xF7A;
	s5 =	simm.s32 @!p2 $0x0  }
0x1d: {  	s5 =	simm.s32 @p1 $0x1;
	p0 =	seq.s32 s7, s2  }
0x1e: {  	s7 =	smul.u32 @!p0 $0xF7A, s2;
	p2 =	seq.s32 @!p0 s5, $0x0  }
0x1f: {  	s9 =	smul.u32 $0xF7A, s1;
	s8 =	simm.s32 @!p0 $0x1BF5;
	p2 =	por !p2, p0  }
0x20: {  	[sflag:s8] =	ssyncset.s32 @!p0 $0xFFFFF086;
	s6 =	sadd.s32 @!p0 s3, s7;
	s7 =	simm.s32 @!p0 $0x108  }
0x21: {  	s3 =	sadd.s32 s3, s9;
	s6 =	sadd.s32 @!p0 $0x88, s6;
	s7 =	simm.s32 @p2 $0x1082  }
0x22: {  	[simem:s7], [sflag:s8] =	dma.local @!p0 [hbm:s6], $0xF7A  }
0x23: {  	s9 =	sor.u32 $0xD0000000, s2;
	s6 =	simm.s32 $0x108;
	_ =	swait.ge @!p0 [sflag:s8], $0x0  }
0x24: {  	s3 =	sadd.s32 $0x88, s3;
	s6 =	simm.s32 @!p1 $0x1082;
	[sflag:s4] =	ssyncset.s32 $0xFFFFF086  }
0x25: {  	[simem:s6], [sflag:s4] =	dma.local [hbm:s3], $0xF7A  }
0x26: {  	[smem:$0x3F9E] =	sst s1;
	(tag) =	ssettag s2;
	_ =	strace s9  }
0x27: {  	s1 =	sld [smem:$0x3FAE]  }
0x28: {  	s2 =	sld [smem:$0x3FAF]  }
0x29: {  	s4 =	sld [smem:$0x3FB1]  }
0x2a: {  	p0 =	seq.s32 s5, $0x0;
	s5 =	sld [smem:$0x3FB2]  }
0x2b: {  	s6 =	sld [smem:$0x3FB3]  }
0x2c: {  	s7 =	sld [smem:$0x3FB4]  }
0x2d: {  	s3 =	simm.s32 $0x108;
	s8 =	sld [smem:$0x3FB5]  }
0x2e: {  	s3 =	simm.s32 @!p0 $0x1082;
	s9 =	sld [smem:$0x3FB6]  }
0x2f: {  	lr =	sadd.s32 s0, s3;
	s0 =	sld [smem:$0x3FAD]  }
0x30: {  	s3 =	sld [smem:$0x3FB0]  }
0x31: {  	[smem:$0x3FB9] =	sst s10  }
0x32: {  	s10 =	sld [smem:$0x3FB7];
	_ =	sdelay $0x3  }
0x33: {  	p0 =	seq.s32 s10, $0x1;
	s10 =	sld [smem:$0x3FB9];
	_ =	sdelay $0x3  }
0x34: {  	[smem:$0x3FB9] =	sst s10  }
0x35: {  	s10 =	sld [smem:$0x3FB8];
	_ =	sdelay $0x3  }
0x36: {  	p1 =	seq.s32 s10, $0x1;
	s10 =	sld [smem:$0x3FB9];
	_ =	sdelay $0x3  }
0x37: {  	[smem:$0x3FB9] =	sst s10  }
0x38: {  	s10 =	sld [smem:$0x3FBA]  }
0x39: {  	_ = 	snop;
	(pc) =	sbr.ind lr, $3  }
0x3a: {  	_ = 	snop  }
0x3b: {  	_ = 	snop  }
0x3c: {  	p2 =	seq.s32 s10, $0x1;
	s10 =	sld [smem:$0x3FB9]  }
0x3d: {  	_ =	shalt  }
0x3e: {  	_ =	shalt  }
0x3f: {  	_ =	shalt  }
0x40: {  	_ =	shalt  }
0x41: {  	_ =	shalt  }
0x42: {  	_ =	shalt  }
0x43: {  	_ =	shalt  }
0x44: {  	_ =	shalt  }
0x45: {  	_ =	shalt  }
0x46: {  	_ =	shalt  }
0x47: {  	_ =	shalt  }
0x48: {  	_ =	shalt  }
0x49: {  	_ =	shalt  }
0x4a: {  	_ =	shalt  }
0x4b: {  	_ =	shalt  }
0x4c: {  	_ =	shalt  }
0x4d: {  	_ =	shalt  }
0x4e: {  	_ =	shalt  }
0x4f: {  	_ =	shalt  }
0x50: {  	_ =	shalt  }
0x51: {  	_ =	shalt  }
0x52: {  	_ =	shalt  }
0x53: {  	_ =	shalt  }
0x54: {  	_ =	shalt  }
0x55: {  	_ =	shalt  }
0x56: {  	_ =	shalt  }
0x57: {  	_ =	shalt  }
0x58: {  	_ =	shalt  }
0x59: {  	_ =	shalt  }
0x5a: {  	_ =	shalt  }
0x5b: {  	_ =	shalt  }
0x5c: {  	_ =	shalt  }
0x5d: {  	_ =	shalt  }
0x5e: {  	_ =	shalt  }
0x5f: {  	_ =	shalt  }
0x60: {  	_ =	shalt  }
0x61: {  	_ =	shalt  }
0x62: {  	_ =	shalt  }
0x63: {  	_ =	shalt  }
0x64: {  	_ =	shalt  }
0x65: {  	_ =	shalt  }
0x66: {  	_ =	shalt  }
0x67: {  	_ =	shalt  }
0x68: {  	_ =	shalt  }
0x69: {  	_ =	shalt  }
0x6a: {  	_ =	shalt  }
0x6b: {  	_ =	shalt  }
0x6c: {  	_ =	shalt  }
0x6d: {  	_ =	shalt  }
0x6e: {  	_ =	shalt  }
0x6f: {  	_ =	shalt  }
0x70: {  	_ =	shalt  }
0x71: {  	_ =	shalt  }
0x72: {  	_ =	shalt  }
0x73: {  	_ =	shalt  }
0x74: {  	_ =	shalt  }
0x75: {  	_ =	shalt  }
0x76: {  	_ =	shalt  }
0x77: {  	_ =	shalt  }
0x78: {  	_ =	shalt  }
0x79: {  	_ =	shalt  }
0x7a: {  	_ =	shalt  }
0x7b: {  	_ =	shalt  }
0x7c: {  	_ =	shalt  }
0x7d: {  	_ =	shalt  }
0x7e: {  	_ =	shalt  }
0x7f: {  	_ =	shalt  }
0x80: {  	_ =	shalt  }
0x81: {  	_ =	shalt  }
0x82: {  	_ =	shalt  }
0x83: {  	_ =	shalt  }
0x84: {  	_ =	shalt  }
0x85: {  	_ =	shalt  }
0x86: {  	_ =	shalt  }
0x87: {  	_ =	shalt  }
.Lfunc_end0:
.L_simem_size_0:
called_computation.1_lowered:
.L_overlay_start_0:
0x88: {  	s2 =	sld [smem:$0x3FD9]  }
0x89: {  	s3 =	sld [smem:$0x3FFE];
	_ =	sdelay $0x1  }
0x8a: {  	s1 =	srdreg.scid  }
0x8b: {  	s0 =	sand.u32 $0x1, s1  }
0x8c: {  	s17 =	sshll.u32 s0, $0xA;
	s2 =	sadd.s32 s3, s2  }
0x8d: {  	s2 =	sadd.s32 s2, s17  }
0x8e: {  	[smem:$0x3FC5] =	sst s2  }
0x8f: {  	_ = 	snop  }
0x90: {  	s2 =	sld [smem:$0x3FC7]  }
0x91: {  	s18 =	sld [smem:$0x3FD0];
	(tm) =	ssettm $0x1  }
0x92: {  	s4 =	sld [smem:$0x3FFB];
	_ =	sdelay $0x3  }
0x93: {  	_ =	strace s4  }
0x94: {  	s4 =	sld [smem:$0x3FFC];
	_ =	sdelay $0x3  }
0x95: {  	_ =	strace s4  }
0x96: {  	s4 =	sld [smem:$0x3FFD];
	_ =	sdelay $0x3  }
0x97: {  	_ =	strace s4  }
0x98: {  	_ =	strace $0x8FFFFFFF  }
0x99: {  	s19 =	sld [smem:$0x3FDB];
	_ =	sdelay $0x1  }
0x9a: {  	s5 =	simm.s32 $_scs_section_size  }
0x9b: {  	s6 =	simm.s32 $_size__tile_overlayer_lowered;
	s7 =	simm.s32 $_tile_overlayer_lowered  }
0x9c: {  	s22 =	simm.s32 $0x1BFF;
	s21 =	sshll.u32 s7, $0x1;
	s4 =	sadd.s32 s5, s19  }
0x9d: {  	s8 =	simm.s32 $0x0;
	s20 =	sshll.u32 s6, $0x1;
	s6 =	sadd.s32 s21, s4  }
0x9e: {  	[timem:s8], [sflag:s22] =	dma.local [hbm:s6], s20  }
0x9f: {  	_ =	swait.ge [sflag:s22], s20  }
0xa0: {  	s5 =	ssub.s32 $0x0, s20;
	[sflag:s22] =	ssyncset.done $0x0  }
0xa1: {  	[sflag:s22] =	ssyncadd.s32 s5;
	_ =	sdelay $0x1  }
0xa2: {  	s23 =	simm.s32 $0x1B8B  }
0xa3: {  	_ =	swait.ge [sflag:s23], $0x1  }
0xa4: {  	[sflag:s23] =	ssyncset.done $0x0  }
0xa5: {  	s25 =	simm.s32 $0x1B8E;
	s24 =	sld [smem:$0x3FFE];
	[sflag:s23] =	ssyncadd.s32 $0xFFFFFFFF  }
0xa6: {  	s26 =	simm.s32 $execute0_lowered;
	[smem:$0x3FD2] =	sst s25  }
0xa7: {  	s6 =	sshll.u32 s26, $0x1;
	_ =	strace $0x80000046;
	[dreg:$0x1] =	wrdreg $0xFFFFFFFF  }
0xa8: {  	s28 =	simm.s32 $_size_execute0_lowered;
	s4 =	sadd.s32 s4, s6;
	[dreg:$0x0] =	wrdreg $0x0  }
0xa9: {  	s6 =	sshll.u32 s28, $0x1;
	[dreg:$0x2] =	wrdreg s4  }
0xaa: {  	[dreg:$0x3] =	wrdreg s6  }
0xab: {  	[dreg:$0x4] =	wrdreg $0xC0  }
0xac: {  	_ =	task [dreg:s8], $0x5FFFF  }
0xad: {  	[dreg:$0x1] =	wrdreg $0xFFFFFFFF  }
0xae: {  	[dreg:$0x0] =	wrdreg $0x60  }
0xaf: {  	[dreg:$0x2] =	wrdreg s24  }
0xb0: {  	[dreg:$0x3] =	wrdreg s2  }
0xb1: {  	[dreg:$0x4] =	wrdreg s18  }
0xb2: {  	[dreg:$0x5] =	wrdreg $0x9  }
0xb3: {  	_ =	task.clear_ibuf [dreg:s8], $0x6FFFF;
	_ =	strace $0x90000046  }
0xb4: {  	s29 =	simm.s32 $0x9;
	_ =	strace $0x80000048  }
0xb5: {  	_ =	swait.ge [sflag:s29], $0x1  }
0xb6: {  	[sflag:s29] =	ssyncadd.s32 $0xFFFFFFFF  }
0xb7: {  	_ =	strace $0x90000048  }
0xb8: {  	_ =	sfence  }
0xb9: {  	s30 =	sld [smem:$0x0];
	_ =	sdelay $0x2  }
0xba: {  	s31 =	sshll.u32 s1, $0xD;
	s1 =	sshrl.u32 s1, $0x2  }
0xbb: {  	s3 =	sand.u32 $0x4000, s31;
	s1 =	sadd.s32 s1, s30  }
0xbc: {  	s0 =	sor.u32 s3, s0;
	s1 =	sshll.u32 s1, $0x11  }
0xbd: {  	s0 =	sor.u32 s1, s0  }
0xbe: {  	s0 =	sadd.s32 $0x8F2B, s0  }
0xbf: {  	[sflag:s0] =	ssyncadd.remote.s32 $0x1  }
0xc0: {  	_ =	sfence.sel $0xFFFF  }
0xc1: {  	[dreg:$0x0] =	wrdreg $0xFFFFFFFF;
	(pc) =	sbr.abs _section_cstart, $3  }
0xc2: {  	[dreg:$0x1] =	wrdreg $0xFFFFFFFF  }
0xc3: {  	_ =	task.clear_ibuf [dreg:s8], $0x2FFFF;
	_ =	strace $0x9FFFFFFF  }
0xc4: {  	(tm) =	ssettm $0x7FFFFFFF  }
0xc5: {  	_ =	shalt  }
tec
execute0_lowered:
.L_overlay_start_1:
0x0: {  	(tag) =	ssettag $0x1  }
0x1: {  	s5 =	rddreg [dreg:$0x0]  }
0x2: {  	s2 =	rddreg [dreg:$0x1];
	s1 =	srdreg.scid  }
0x3: {  	s0 =	stileid.u32;
	s3 =	rddreg [dreg:$0x2]  }
0x4: {  	s4 =	simm.s32 $0x0;
	s11 =	simm.s32 $0x5;
	s12 =	simm.s32 $0x200  }
0x5: {  	s13 =	simm.s32 $0x6400;
	s14 =	simm.s32 $0xE400;
	s15 =	simm.s32 $0x1  }
0x6: {  	s16 =	simm.s32 $0x2;
	s6 =	sand.u32 $0x1, s1;
	s7 =	sshll.u32 s0, $0x1  }
0x7: {  	s17 =	simm.s32 $0x3;
	s18 =	simm.s32 $0x4;
	s7 =	sor.u32 s6, s7  }
0x8: {  	s19 =	simm.s32 $0x0;
	s1 =	rddreg [dreg:$0x3];
	s8 =	smul.u32 $0xC80, s7  }
.Ltmp0:
0x9: {  	[smem:$0x7FF] =	sst s4;
	s6 =	ssub.s32 $0x2, s6;
	(pc) =	sbr.rel .LBB2_1-.Ltmp0, $4  }
0xa: {  	_ =	strace $0x80000047;
	s9 =	sshrl.u32 s6, $0x1;
	s10 =	smul.u32 $0x32000, s7  }
0xb: {  	s7 =	smul.u32 $0x190000, s7;
	s9 =	ssub.s32 s6, s9;
	s8 =	sadd.s32 s8, s5  }
0xc: {  	s5 =	sadd.s32 $0xF42E00, s5;
	s10 =	sadd.s32 s10, s3;
	s6 =	sadd.s32 $0xA00, s8  }
0xd: {  	s8 =	smax.u32 s9, $0x1;
	s9 =	sadd.s32 $0x1000, s10;
	s10 =	simm.s32 $0x16400  }
.LBB2_8:
0xe: {  	s19 =	sadd.s32 $0x1, s19  }
0xf: {  	p0 =	sne.s32 s19, s8  }
.Ltmp1:
0x10: {  	_ = 	snop;
	(pc) =	sbr.rel @!p0 .LBB2_9-.Ltmp1, $4  }
0x11: {  	_ = 	snop  }
0x12: {  	_ =	swait.ge [sflag:s18], $0x8000  }
0x13: {  	[sflag:s18] =	ssyncset.done $0x0  }
0x14: {  	[sflag:s18] =	ssyncadd.s32 $0xFFFF8000  }
.LBB2_1:
0x15: {  	[tilespmem:s10], [sflag:$0x5] =	stream.linear.gather [hbm4b:s2+s4], $0x40, $0x38;
	[tilespmem:$0x16440] =	vst v63  }
0x16: {  	_ =	swait.ge [sflag:s11], $0x40  }
0x17: {  	[sflag:s11] =	ssyncset.done $0x0  }
0x18: {  	[sflag:s11] =	ssyncadd.s32 $0xFFFFFFC0  }
0x19: {  	[tilespmem:s4], [sflag:$0x5] =	stream.linear.gather [hbm4b:s6+s4], $0x6400, $0x38;
	[tilespmem:$0x16440] =	vst v63  }
0x1a: {  	_ =	swait.ge [sflag:s11], $0x6400  }
0x1b: {  	[sflag:s11] =	ssyncset.done $0x0  }
0x1c: {  	[sflag:s11] =	ssyncadd.s32 $0xFFFF9C00  }
0x1d: {  	[tilespmem:s13], [sflag:$0x1] =	stream.indirect.gather [hbm4b:s5+s12], $0x40, s4, s12, $0xb8;
	[tilespmem:$0x16440] =	vst v63  }
0x1e: {  	s20 =	simm.s32 $0x0  }
0x1f: {  	[tilespmem:s14], [sflag:$0x2] =	stream.indirect.gather [hbm4b:s5+s12], $0x40, s12, s12, $0xb8;
	[tilespmem:$0x16440] =	vst v63  }
.LBB2_2:
0x20: {  	_ =	swait.ge [sflag:s15], $0x8000  }
0x21: {  	[sflag:s15] =	ssyncset.done $0x0  }
0x22: {  	s21 =	simm.s32 $0x0;
	[sflag:s15] =	ssyncadd.s32 $0xFFFF8000  }
0x23: {  	s22 =	simm.s32 $0x800;
	v0 =	vld [tilespmem:s21+$0x6400]  }
.LBB2_3:
0x24: {  	p0 =	sne.s32 s22, $0x1F800;
	v1 =	vld [tilespmem:$0x16400];
	_ =	sdelay $0x4  }
0x25: {  	v0 =	vadd.f32 v1, v0;
	_ =	sdelay $0x1  }
0x26: {  	[tilespmem:s21+$0x6400] =	vst v0;
	v0 =	vld [tilespmem:s21+$0x6410]  }
0x27: {  	v1 =	vld [tilespmem:$0x16410];
	_ =	sdelay $0x4  }
0x28: {  	v0 =	vadd.f32 v1, v0;
	_ =	sdelay $0x1  }
0x29: {  	[tilespmem:s21+$0x6410] =	vst v0;
	v0 =	vld [tilespmem:s21+$0x6420]  }
0x2a: {  	v1 =	vld [tilespmem:$0x16420];
	_ =	sdelay $0x4  }
0x2b: {  	v0 =	vadd.f32 v1, v0;
	_ =	sdelay $0x1  }
0x2c: {  	[tilespmem:s21+$0x6420] =	vst v0;
	v0 =	vld [tilespmem:s21+$0x6430]  }
0x2d: {  	v1 =	vld [tilespmem:$0x16430];
	_ =	sdelay $0x2  }
.Ltmp2:
0x2e: {  	(pc) =	sbr.rel @p0 .LBB2_3-.Ltmp2, $4  }
0x2f: {  	_ = 	snop  }
0x30: {  	v1 =	vadd.f32 v1, v0  }
0x31: {  	s23 =	sshra.s32 s22, $0x2  }
0x32: {  	s22 =	sadd.s32 $0x800, s22;
	v0 =	vld [tilespmem:s23+$0x6400];
	[tilespmem:s21+$0x6430] =	vst v1;
	s21 =	smov.u32 s23  }
0x33: {  	v1 =	vld [tilespmem:$0x16400];
	_ =	sdelay $0x4  }
0x34: {  	v0 =	vadd.f32 v1, v0;
	_ =	sdelay $0x1  }
0x35: {  	[tilespmem:s21+$0x6400] =	vst v0;
	v0 =	vld [tilespmem:s21+$0x6410]  }
0x36: {  	v1 =	vld [tilespmem:$0x16410];
	_ =	sdelay $0x4  }
0x37: {  	v0 =	vadd.f32 v1, v0;
	_ =	sdelay $0x1  }
0x38: {  	[tilespmem:s21+$0x6410] =	vst v0;
	v0 =	vld [tilespmem:s21+$0x6420]  }
0x39: {  	v1 =	vld [tilespmem:$0x16420];
	_ =	sdelay $0x4  }
0x3a: {  	v0 =	vadd.f32 v1, v0;
	_ =	sdelay $0x1  }
0x3b: {  	[tilespmem:s21+$0x6420] =	vst v0;
	v0 =	vld [tilespmem:s21+$0x6430]  }
0x3c: {  	v1 =	vld [tilespmem:$0x16430];
	_ =	sdelay $0x3  }
0x3d: {  	s22 =	sshll.u32 s20, $0x10  }
0x3e: {  	s22 =	sadd.s32 s7, s22;
	v0 =	vadd.f32 v1, v0  }
0x3f: {  	s22 =	sshrl.u32 s22, $0x3  }
0x40: {  	s31 =	sadd.s32 s3, s22;
	[tilespmem:s21+$0x6430] =	vst v0  }
0x41: {  	[hbm4b:s31+s4] =	stream.linear.scatter [tilespmem:s13], [sflag:$0x3], $0x8000, $0x38;
	[tilespmem:$0x16440] =	vst v63  }
0x42: {  	_ =	swait.ge [sflag:s16], $0x8000  }
0x43: {  	[sflag:s16] =	ssyncset.done $0x0  }
0x44: {  	s21 =	simm.s32 $0xFFFF8000;
	[sflag:s16] =	ssyncadd.s32 $0xFFFF8000  }
0x45: {  	s22 =	simm.s32 $0xFFFE0800;
	v0 =	vld [tilespmem:s21+$0x16400]  }
.LBB2_5:
0x46: {  	p0 =	sne.s32 s22, $0xFFFFF800;
	v1 =	vld [tilespmem:$0x16400];
	_ =	sdelay $0x4  }
0x47: {  	v0 =	vadd.f32 v1, v0;
	_ =	sdelay $0x1  }
0x48: {  	[tilespmem:s21+$0x16400] =	vst v0;
	v0 =	vld [tilespmem:s21+$0x16410]  }
0x49: {  	v1 =	vld [tilespmem:$0x16410];
	_ =	sdelay $0x4  }
0x4a: {  	v0 =	vadd.f32 v1, v0;
	_ =	sdelay $0x1  }
0x4b: {  	[tilespmem:s21+$0x16410] =	vst v0;
	v0 =	vld [tilespmem:s21+$0x16420]  }
0x4c: {  	v1 =	vld [tilespmem:$0x16420];
	_ =	sdelay $0x4  }
0x4d: {  	v0 =	vadd.f32 v1, v0;
	_ =	sdelay $0x1  }
0x4e: {  	[tilespmem:s21+$0x16420] =	vst v0;
	v0 =	vld [tilespmem:s21+$0x16430]  }
0x4f: {  	v1 =	vld [tilespmem:$0x16430];
	_ =	sdelay $0x2  }
.Ltmp3:
0x50: {  	(pc) =	sbr.rel @p0 .LBB2_5-.Ltmp3, $4  }
0x51: {  	_ = 	snop  }
0x52: {  	v1 =	vadd.f32 v1, v0  }
0x53: {  	s23 =	sshra.s32 s22, $0x2  }
0x54: {  	s22 =	sadd.s32 $0x800, s22;
	v0 =	vld [tilespmem:s23+$0x16400];
	[tilespmem:s21+$0x16430] =	vst v1;
	s21 =	smov.u32 s23  }
0x55: {  	v1 =	vld [tilespmem:$0x16400];
	_ =	sdelay $0x4  }
0x56: {  	v0 =	vadd.f32 v1, v0;
	_ =	sdelay $0x1  }
0x57: {  	v58 =	vld [tilespmem:s21+$0x16410];
	[tilespmem:s21+$0x16400] =	vst v0  }
0x58: {  	v59 =	vld [tilespmem:$0x16410];
	_ =	sdelay $0x4  }
0x59: {  	v0 =	vadd.f32 v59, v58;
	_ =	sdelay $0x1  }
0x5a: {  	v60 =	vld [tilespmem:s21+$0x16420];
	[tilespmem:s21+$0x16410] =	vst v0  }
0x5b: {  	v61 =	vld [tilespmem:$0x16420];
	_ =	sdelay $0x4  }
0x5c: {  	v0 =	vadd.f32 v61, v60;
	_ =	sdelay $0x1  }
0x5d: {  	v62 =	vld [tilespmem:s21+$0x16430];
	[tilespmem:s21+$0x16420] =	vst v0  }
0x5e: {  	v63 =	vld [tilespmem:$0x16430];
	_ =	sdelay $0x4  }
0x5f: {  	v0 =	vadd.f32 v63, v62  }
0x60: {  	s22 =	sshll.u32 s20, $0xD;
	p0 =	seq.s32 s20, $0x18  }
.Ltmp4:
0x61: {  	s31 =	sadd.s32 s9, s22;
	[tilespmem:s21+$0x16430] =	vst v0;
	(pc) =	sbr.rel @p0 .LBB2_8-.Ltmp4, $4  }
0x62: {  	[hbm4b:s31+s4] =	stream.linear.scatter [tilespmem:s14], [sflag:$0x4], $0x8000, $0x38;
	[tilespmem:$0x16440] =	vst v63  }
0x63: {  	_ =	swait.ge [sflag:s17], $0x8000  }
0x64: {  	[sflag:s17] =	ssyncset.done $0x0  }
0x65: {  	[sflag:s17] =	ssyncadd.s32 $0xFFFF8000  }
0x66: {  	s21 =	sshll.u32 s20, $0xA  }
0x67: {  	s21 =	sand.u32 $0x3FFFFC00, s21  }
0x68: {  	s22 =	sadd.s32 $0x400, s21  }
0x69: {  	[tilespmem:s13], [sflag:$0x1] =	stream.indirect.gather [hbm4b:s5+s12], $0x40, s22, s12, $0xb8;
	[tilespmem:$0x16440] =	vst v63  }
.Ltmp5:
0x6a: {  	_ = 	snop;
	(pc) =	sbr.rel .LBB2_2-.Ltmp5, $4  }
0x6b: {  	_ =	swait.ge [sflag:s18], $0x8000  }
0x6c: {  	[sflag:s18] =	ssyncset.done $0x0  }
0x6d: {  	s20 =	sadd.s32 $0x1, s20;
	s21 =	sadd.s32 $0x600, s21;
	[sflag:s18] =	ssyncadd.s32 $0xFFFF8000  }
0x6e: {  	[tilespmem:s14], [sflag:$0x2] =	stream.indirect.gather [hbm4b:s5+s12], $0x40, s21, s12, $0xb8;
	[tilespmem:$0x16440] =	vst v63  }
.LBB2_9:
0x6f: {  	_ =	sfence.sel $0x180000  }
0x70: {  	[bflag:$0x0] =	sbarrier.arrive $0xFFFF  }
0x71: {  	p0 =	sne.s32 s0, $0x0;
	_ =	strace $0x90000047  }
0x72: {  	s0 =	sadd.s32 @!p0 $0x100000, s1;
	[bflag:$0x2] =	sbarrier.arrive $0xFFFF  }
0x73: {  	[sflag:s0] =	ssyncadd.tile.s32 @!p0 $0x1;
	_ =	shalt  }
.Lfunc_end2:
_tile_overlayer_lowered:
.L_overlay_start_2:
0x74: {  	(tag) =	ssettag $0x2  }
0x75: {  	s0 =	rddreg [dreg:$0x0];
	s2 =	stileid.u32  }
0x76: {  	s1 =	rddreg [dreg:$0x1];
	p0 =	sne.s32 s2, $0x0  }
0x77: {  	s3 =	rddreg [dreg:$0x2];
	[bflag:$0x3] =	sbarrier.arrive $0xFFFF;
	s2 =	simm.s32 @!p0 $0x1C05  }
0x78: {  	[timem:s3], [sflag:s2] =	dma.local @!p0 [hbm:s0], s1  }
0x79: {  	s0 =	simm.s32 @!p0 $0x5  }
0x7a: {  	_ =	swait.ge @!p0 [sflag:s0], s1  }
0x7b: {  	s1 =	ssub.s32 @!p0 $0x0, s1;
	[sflag:s0] =	ssyncset.done @!p0 $0x0  }
0x7c: {  	[sflag:s0] =	ssyncadd.s32 @!p0 s1  }
0x7d: {  	[bflag:$0x3] =	sbarrier.arrive $0xFFFF  }
0x7e: {  	_ =	shalt  }

// kernel: sparse-core-data-format-call.cloned.1.call-start
scs
called_computation_lowered:
.L_overlay_start_0:
0x0: {  	s2 =	sld [smem:$0x3FD9]  }
0x1: {  	s3 =	sld [smem:$0x3FFE];
	_ =	sdelay $0x1  }
0x2: {  	s1 =	srdreg.scid  }
0x3: {  	s0 =	sand.u32 $0x1, s1  }
0x4: {  	s18 =	sshll.u32 s0, $0xA;
	s2 =	sadd.s32 s3, s2  }
0x5: {  	s2 =	sadd.s32 s2, s18  }
0x6: {  	[smem:$0x3FC5] =	sst s2  }
0x7: {  	_ = 	snop  }
0x8: {  	s2 =	sld [smem:$0x3FD0];
	(tm) =	ssettm $0x1  }
0x9: {  	s19 =	sld [smem:$0x3FFB];
	_ =	sdelay $0x3  }
0xa: {  	_ =	strace s19  }
0xb: {  	s3 =	sld [smem:$0x3FFC];
	_ =	sdelay $0x3  }
0xc: {  	_ =	strace s3  }
0xd: {  	s3 =	sld [smem:$0x3FFD];
	_ =	sdelay $0x3  }
0xe: {  	_ =	strace s3  }
0xf: {  	_ =	strace $0x8FFFFFFF  }
0x10: {  	s20 =	sld [smem:$0x3FDB];
	_ =	sdelay $0x1  }
0x11: {  	s4 =	simm.s32 $_scs_section_size  }
0x12: {  	s5 =	simm.s32 $_size__tile_overlayer_lowered;
	s6 =	simm.s32 $_tile_overlayer_lowered  }
0x13: {  	s23 =	simm.s32 $0x1BFF;
	s22 =	sshll.u32 s6, $0x1;
	s3 =	sadd.s32 s4, s20  }
0x14: {  	s7 =	simm.s32 $0x0;
	s21 =	sshll.u32 s5, $0x1;
	s5 =	sadd.s32 s22, s3  }
0x15: {  	[timem:s7], [sflag:s23] =	dma.local [hbm:s5], s21  }
0x16: {  	_ =	swait.ge [sflag:s23], s21  }
0x17: {  	s4 =	ssub.s32 $0x0, s21;
	[sflag:s23] =	ssyncset.done $0x0  }
0x18: {  	[sflag:s23] =	ssyncadd.s32 s4;
	_ =	sdelay $0x1  }
0x19: {  	s24 =	simm.s32 $0x1B8B  }
0x1a: {  	_ =	swait.ge [sflag:s24], $0x1  }
0x1b: {  	[sflag:s24] =	ssyncset.done $0x0  }
0x1c: {  	s26 =	simm.s32 $0x1B8E;
	s25 =	sld [smem:$0x3FFE];
	[sflag:s24] =	ssyncadd.s32 $0xFFFFFFFF  }
0x1d: {  	s27 =	simm.s32 $execute0_lowered;
	[smem:$0x3FD2] =	sst s26  }
0x1e: {  	s5 =	sshll.u32 s27, $0x1;
	_ =	strace $0x80000049;
	[dreg:$0x1] =	wrdreg $0xFFFFFFFF  }
0x1f: {  	s28 =	simm.s32 $_size_execute0_lowered;
	s3 =	sadd.s32 s3, s5;
	[dreg:$0x0] =	wrdreg $0x0  }
0x20: {  	s5 =	sshll.u32 s28, $0x1;
	[dreg:$0x2] =	wrdreg s3  }
0x21: {  	[dreg:$0x3] =	wrdreg s5  }
0x22: {  	[dreg:$0x4] =	wrdreg $0xC0  }
0x23: {  	_ =	task [dreg:s7], $0x5FFFF  }
0x24: {  	[dreg:$0x1] =	wrdreg $0xFFFFFFFF  }
0x25: {  	[dreg:$0x0] =	wrdreg $0x60  }
0x26: {  	[dreg:$0x2] =	wrdreg s25  }
0x27: {  	[dreg:$0x3] =	wrdreg s2  }
0x28: {  	[dreg:$0x4] =	wrdreg $0x9  }
0x29: {  	_ =	task.clear_ibuf [dreg:s7], $0x5FFFF;
	_ =	strace $0x90000049  }
0x2a: {  	s29 =	simm.s32 $0x9;
	_ =	strace $0x8000004B  }
0x2b: {  	_ =	swait.ge [sflag:s29], $0x1  }
0x2c: {  	[sflag:s29] =	ssyncadd.s32 $0xFFFFFFFF  }
0x2d: {  	_ =	strace $0x9000004B  }
0x2e: {  	_ =	sfence  }
0x2f: {  	s30 =	sld [smem:$0x0];
	_ =	sdelay $0x2  }
0x30: {  	s31 =	sshll.u32 s1, $0xD;
	s1 =	sshrl.u32 s1, $0x2  }
0x31: {  	s3 =	sand.u32 $0x4000, s31;
	s1 =	sadd.s32 s1, s30  }
0x32: {  	s0 =	sor.u32 s3, s0;
	s1 =	sshll.u32 s1, $0x11  }
0x33: {  	s0 =	sor.u32 s1, s0  }
0x34: {  	s0 =	sadd.s32 $0x8F2B, s0  }
0x35: {  	[sflag:s0] =	ssyncadd.remote.s32 $0x1  }
0x36: {  	_ =	sfence.sel $0xFFFF  }
0x37: {  	[dreg:$0x0] =	wrdreg $0xFFFFFFFF;
	(pc) =	sbr.abs _section_cstart, $3  }
0x38: {  	[dreg:$0x1] =	wrdreg $0xFFFFFFFF  }
0x39: {  	_ =	task.clear_ibuf [dreg:s7], $0x2FFFF;
	_ =	strace $0x9FFFFFFF  }
0x3a: {  	(tm) =	ssettm $0x7FFFFFFF  }
0x3b: {  	_ =	shalt  }
tec
execute0_lowered:
.L_overlay_start_1:
0x0: {  	(tag) =	ssettag $0x1  }
0x1: {  	s0 =	srdreg.scid  }
0x2: {  	s1 =	sshll.u32 s0, $0x4  }
0x3: {  	s0 =	stileid.u32;
	s1 =	sand.u32 $0x10, s1  }
0x4: {  	s1 =	sor.u32 s0, s1  }
0x5: {  	s6 =	rddreg [dreg:$0x0];
	s4 =	simm.s32 $0x1;
	s2 =	sshll.u32 s1, $0x7  }
0x6: {  	s7 =	simm.s32 $0x2;
	s12 =	simm.s32 $0x0;
	s1 =	ssub.s32 $0x1000, s2  }
0x7: {  	s8 =	simm.s32 $0x8000;
	s13 =	simm.s32 $0x0;
	s3 =	sand.u32 $0xF80, s1  }
0x8: {  	s9 =	simm.s32 $0x0;
	s5 =	sshrl.u32 s1, $0xC;
	p0 =	sne.s32 s3, $0x0  }
.Ltmp0:
0x9: {  	s1 =	rddreg [dreg:$0x2];
	s4 =	simm.s32 @!p0 $0x0;
	(pc) =	sbr.rel .LBB1_1-.Ltmp0, $4  }
0xa: {  	s11 =	simm.s32 $0x0;
	s3 =	rddreg [dreg:$0x1];
	s5 =	sadd.s32 s4, s5  }
0xb: {  	_ =	strace $0x8000004A;
	s4 =	simm.s32 $0x1;
	s5 =	smul.u32 $0xC8, s5  }
0xc: {  	s6 =	sadd.s32 $0xA00, s6;
	s10 =	smov.u32 s2;
	[sflag:s4] =	ssyncpa.u1 $0x0  }
0xd: {  	p0 =	por $0x0, $0x0;
	[sflag:s7] =	ssyncpa.u1 $0x0;
	s7 =	sor.u32 $0x1, s5  }
.LBB1_4:
0xe: {  	s16 =	sshll.u32 s13, $0x3;
	s17 =	sand.u32 $0x78, s13  }
0xf: {  	s30 =	sand.u32 $0x7E00, s13;
	s12 =	sshll.u32 s12, $0xF;
	s16 =	sand.u32 $0xC00, s16  }
0x10: {  	[tilespmem:s15+$0x810 ss:$0x81] =	vst.msk $0xffff, v2;
	s31 =	sand.u32 $0x7, s13;
	s16 =	sor.u32 s17, s16;
	s17 =	sadd.s32 s3, s30  }
0x11: {  	[tilespmem:s15+$0x1020 ss:$0x81] =	vst.msk $0xffff, v0;
	s13 =	sshll.u32 s31, $0x12;
	s12 =	sadd.s32 s12, s17;
	s16 =	sshrl.u32 s16, $0x3  }
0x12: {  	[tilespmem:s15+$0x0 ss:$0x81] =	vst.msk $0xffff, v1;
	s13 =	sor.u32 $0x400, s13;
	s12 =	sadd.s32 s16, s12  }
0x13: {  	[hbm4b:s12+s13] =	stream.strided.scatter [tilespmem:s14], [sflag:$0x2], $0x2000, s8, s13, $0x20;
	[tilespmem:$0x8080] =	vst v63  }
.LBB1_5:
0x14: {  	s14 =	sadd.s32 $0x1, s9  }
0x15: {  	s12 =	sadd.s32 $0x1000, s10;
	s16 =	smov.u32 s10;
	p2 =	sgt.s32 s14, $0xC7  }
0x16: {  	s16 =	smov.u32 @p2 s12  }
0x17: {  	s14 =	simm.s32 @p2 $0x0;
	p2 =	sgt.s32 s16, $0xFFF  }
0x18: {  	s16 =	smov.u32 @p2 s2;
	p2 =	sne.s32 s11, s7  }
.Ltmp1:
0x19: {  	p1 =	slt.u32 s11, $0x2;
	(pc) =	sbr.rel @!p2 .LBB1_6-.Ltmp1, $4  }
0x1a: {  	s15 =	simm.s32 @!p1 $0x2  }
0x1b: {  	s13 =	smov.u32 s10;
	p0 =	por !p0, !p0;
	_ =	swait.ge @!p1 [sflag:s15], $0x2000  }
0x1c: {  	s12 =	smov.u32 s9;
	[sflag:s15] =	ssyncset.done @!p1 $0x0;
	s9 =	smov.u32 s14  }
0x1d: {  	s11 =	sadd.s32 $0x1, s11;
	[sflag:s15] =	ssyncadd.s32 @!p1 $0xFFFFE000;
	s10 =	smov.u32 s16  }
.LBB1_1:
0x1e: {  	p1 =	sge.u32 s11, s5  }
0x1f: {  	s14 =	sand.u32 @!p1 $0x1FFFFFF, s9  }
0x20: {  	s15 =	smulhi.u32 @!p1 $0x147AE15, s14;
	_ =	sdelay $0x1  }
0x21: {  	s15 =	smul.u32 @!p1 $0xC8, s15  }
0x22: {  	s16 =	sxor.u32 @!p1 $0xFFFFFFFF, s11;
	s17 =	smul.u32 @!p1 $0xC80, s10  }
0x23: {  	s31 =	sadd.s32 $0xFFFFFFFF, s11;
	s16 =	sshll.u32 @!p1 s16, $0xD;
	s14 =	ssub.s32 @!p1 s14, s15  }
0x24: {  	s15 =	sand.u32 @!p1 $0x2000, s16;
	s16 =	sadd.s32 @!p1 s6, s17;
	s14 =	sshll.u32 @!p1 s14, $0x4  }
0x25: {  	s17 =	simm.s32 @!p1 $0x6400;
	s14 =	sadd.s32 @!p1 s14, s16;
	s16 =	simm.s32 @!p1 $0x40  }
0x26: {  	[tilespmem:s15], [sflag:$0x1] =	stream.strided.gather @!p1 [hbm4b:s14+s16], $0x2000, s17, s16, $0x38;
	[tilespmem:$0x8080] =	vst v63  }
0x27: {  	p1 =	sge.u32 s31, s5  }
.Ltmp2:
0x28: {  	_ = 	snop;
	(pc) =	sbr.rel @p1 .LBB1_5-.Ltmp2, $1  }
0x29: {  	_ =	sdelay $0x3  }
0x2a: {  	s14 =	simm.s32 $0x1  }
0x2b: {  	_ =	swait.ge [sflag:s4], $0x2000;
	s14 =	simm.s32 @!p0 $0x0  }
0x2c: {  	[sflag:s4] =	ssyncset.done $0x0;
	s15 =	sshll.u32 s14, $0xD  }
0x2d: {  	[sflag:s4] =	ssyncadd.s32 $0xFFFFE000;
	s18 =	sor.u32 $0x20, s15  }
0x2e: {  	s14 =	smul.u32 $0x8100, s14;
	v3 =	vld [tilespmem:s18+$0x10]  }
0x2f: {  	s30 =	sand.u32 $0x1, s11;
	v2 =	vld [tilespmem:s18+$0xFFFFFFF0]  }
0x30: {  	s15 =	smul.u32 $0x8100, s30;
	s14 =	sshrl.u32 s14, $0x2;
	v0 =	vld [tilespmem:s18+$0x0]  }
0x31: {  	v1 =	vld [tilespmem:s18+$0xFFFFFFE0];
	s16 =	sor.u32 $0x4000, s14  }
0x32: {  	s31 =	sshrl.u32 s15, $0x2;
	s15 =	sadd.s32 $0x0, s16  }
0x33: {  	s17 =	simm.s32 $0x4;
	s18 =	sadd.s32 $0x40, s18;
	s14 =	sor.u32 $0x4000, s31;
	[tilespmem:s15+$0x1830 ss:$0x81] =	vst.msk $0xffff, v3  }
.LBB1_3:
0x34: {  	v3 =	vld [tilespmem:s18+$0x10];
	p1 =	sne.s32 s17, $0x1FC;
	[tilespmem:s15+$0x810 ss:$0x81] =	vst.msk $0xffff, v2;
	s19 =	smov.u32 s17;
	s17 =	sadd.s32 $0x4, s17  }
.Ltmp3:
0x35: {  	v2 =	vld [tilespmem:s18+$0xFFFFFFF0];
	[tilespmem:s15+$0x1020 ss:$0x81] =	vst.msk $0xffff, v0;
	(pc) =	sbr.rel @p1 .LBB1_3-.Ltmp3, $4  }
0x36: {  	v0 =	vld [tilespmem:s18+$0x0];
	[tilespmem:s15+$0x0 ss:$0x81] =	vst.msk $0xffff, v1  }
0x37: {  	s15 =	sshra.s32 s19, $0x2;
	v1 =	vld [tilespmem:s18+$0xFFFFFFE0]  }
0x38: {  	s15 =	sadd.s32 s15, s16  }
0x39: {  	s18 =	sadd.s32 $0x40, s18;
	[tilespmem:s15+$0x1830 ss:$0x81] =	vst.msk $0xffff, v3  }
.Ltmp4:
0x3a: {  	_ = 	snop;
	(pc) =	sbr.rel .LBB1_4-.Ltmp4, $1  }
0x3b: {  	_ =	sdelay $0x3  }
.LBB1_6:
0x3c: {  	_ =	sfence.sel $0x180000  }
0x3d: {  	s2 =	simm.s32 $0x1;
	[bflag:$0x0] =	sbarrier.arrive $0xFFFF  }
0x3e: {  	s31 =	simm.s32 $0x2;
	[sflag:s2] =	ssyncpa.u1 $0x1  }
0x3f: {  	[sflag:s31] =	ssyncpa.u1 $0x1  }
0x40: {  	p0 =	sne.s32 s0, $0x0;
	_ =	strace $0x9000004A  }
0x41: {  	s0 =	sadd.s32 @!p0 $0x100000, s1;
	[bflag:$0x2] =	sbarrier.arrive $0xFFFF  }
0x42: {  	[sflag:s0] =	ssyncadd.tile.s32 @!p0 $0x1;
	_ =	shalt  }
.Lfunc_end1:
_tile_overlayer_lowered:
.L_overlay_start_2:
0x43: {  	(tag) =	ssettag $0x2  }
0x44: {  	s0 =	rddreg [dreg:$0x0];
	s2 =	stileid.u32  }
0x45: {  	s1 =	rddreg [dreg:$0x1];
	p0 =	sne.s32 s2, $0x0  }
0x46: {  	s3 =	rddreg [dreg:$0x2];
	[bflag:$0x3] =	sbarrier.arrive $0xFFFF;
	s2 =	simm.s32 @!p0 $0x1C01  }
0x47: {  	[timem:s3], [sflag:s2] =	dma.local @!p0 [hbm:s0], s1  }
0x48: {  	s0 =	simm.s32 @!p0 $0x1  }
0x49: {  	_ =	swait.ge @!p0 [sflag:s0], s1  }
0x4a: {  	s1 =	ssub.s32 @!p0 $0x0, s1;
	[sflag:s0] =	ssyncset.done @!p0 $0x0  }
0x4b: {  	[sflag:s0] =	ssyncadd.s32 @!p0 s1  }
0x4c: {  	[bflag:$0x3] =	sbarrier.arrive $0xFFFF  }
0x4d: {  	_ =	shalt  }

</sc_bundles>
